<compile_context>
chip_gen: v7x
topology: tpu7x:2x2x1
jax: 0.10.2.dev20260603
libtpu: 0.0.44.dev20260713+nightly
codegen_flags: <defaults>
</compile_context>

<pallas_src>
import functools

import jax
import jax.numpy as jnp
from jax import lax
from jax.experimental import pallas as pl
from jax.experimental.pallas import tpu as pltpu
from jax.experimental.pallas import tpu_sc as plsc

_NPTS = 16384
_D = 32
_K = 8192
_M_BLOCK = 1024

_NC = 2
_NS = 16
_NW = _NC * _NS
_PTS_PER_W = _NPTS // _NW
_GATHER_CHUNK = 128
_ROWS_PER_W = _PTS_PER_W // _GATHER_CHUNK


def _argmin_body(z_ref, cb_ref, out_ref, cnorm_ref):
    @pl.when(pl.program_id(0) == 0)
    def _():
        cb = cb_ref[...]
        cnorm_ref[...] = jnp.sum(cb * cb, axis=1, keepdims=True)

    zb2 = z_ref[0] * -2.0
    s = lax.dot_general(cb_ref[...], zb2, (((1,), (0,)), ((), ())),
                        preferred_element_type=jnp.float32)
    d = cnorm_ref[...] + s
    bi = jnp.argmin(d, axis=0)
    out_ref[...] = bi.astype(jnp.int32).reshape(1, 1, _M_BLOCK)


def _encode_indices(z3d, codebook, interpret=False):
    n_blocks = _NPTS // _M_BLOCK
    out = pl.pallas_call(
        _argmin_body,
        grid=(n_blocks,),
        in_specs=[
            pl.BlockSpec((1, _D, _M_BLOCK), lambda g: (g, 0, 0)),
            pl.BlockSpec((_K, _D), lambda g: (0, 0)),
        ],
        out_specs=pl.BlockSpec((1, 1, _M_BLOCK), lambda g: (g, 0, 0)),
        out_shape=jax.ShapeDtypeStruct((n_blocks, 1, _M_BLOCK), jnp.int32),
        scratch_shapes=[pltpu.VMEM((_K, 1), jnp.float32)],
        interpret=interpret,
    )(z3d, codebook)
    return out.reshape(_NPTS)


_DPAD = 128


@functools.cache
def _make_gather_kernel():
    mesh = plsc.VectorSubcoreMesh(core_axis_name="c", subcore_axis_name="s")

    @functools.partial(
        pl.kernel,
        mesh=mesh,
        out_type=jax.ShapeDtypeStruct(
            (_NPTS // _GATHER_CHUNK, _GATHER_CHUNK, _DPAD), jnp.float32),
        scratch_types=[
            pltpu.VMEM((_ROWS_PER_W, _GATHER_CHUNK), jnp.int32),
            pltpu.VMEM((_ROWS_PER_W, _GATHER_CHUNK, _DPAD), jnp.float32),
            pltpu.SemaphoreType.DMA,
        ],
    )
    def _gather_kernel(idx_hbm, table_hbm, out_hbm, idx_v, rows_v, sem):
        wid = lax.axis_index("s") * _NC + lax.axis_index("c")
        base = wid * _ROWS_PER_W
        pltpu.sync_copy(idx_hbm.at[pl.ds(base, _ROWS_PER_W)], idx_v)
        for c in range(_ROWS_PER_W):
            pltpu.async_copy(table_hbm.at[idx_v.at[c]], rows_v.at[c],
                             sem).wait()
        pltpu.sync_copy(rows_v, out_hbm.at[pl.ds(base, _ROWS_PER_W)])

    return _gather_kernel


def kernel(z_e, codebook):
    b, c, h, w = z_e.shape
    z3d = z_e.reshape(b, c, h * w)
    idx = _encode_indices(z3d, codebook)
    idx2d = idx.reshape(_NPTS // _GATHER_CHUNK, _GATHER_CHUNK)
    cb_pad = jnp.pad(codebook, ((0, 0), (0, _DPAD - _D)))
    quantized = _make_gather_kernel()(idx2d, cb_pad)
    quantized = quantized.reshape(_NPTS, _DPAD)[:, :_D]
    q = quantized.reshape(b, h * w, c).transpose(0, 2, 1).reshape(b, c, h, w)
    return q

# --- scband reference (transcript-rebuilt; emitter-appended) ---
"""Pipeline reference for scband-kmeans-quantizer-86715389706648 (READ-ONLY COPY).

The authoritative reference and input builder live on the scoring server;
editing this copy changes nothing except your own understanding.
"""

import jax, jax.numpy as jnp
import numpy as np


def setup_inputs(seed: int = 0) -> dict:
    key = jax.random.key(seed)
    k1, k2 = jax.random.split(key)
    # z_e: [B, C, H, W] channels-first latent, C == code_dim
    z_e = jax.random.normal(k1, (16, 32, 32, 32), dtype=jnp.float32)
    # learned codebook parameter: [K, code_dim]
    codebook = jax.random.normal(k2, (8192, 32), dtype=jnp.float32)
    return {"z_e": z_e, "codebook": codebook}


def reference(z_e, codebook):
    # permute(0, 2, 3, 1)
    z = jnp.transpose(z_e, (0, 2, 3, 1))
    input_shape = z.shape
    d = codebook.shape[1]
    p = codebook.shape[0]
    flatten_ze = z.reshape(-1, d)
    # squared L2 distances via expansion
    distances = (
        jnp.sum(flatten_ze ** 2, axis=1, keepdims=True)
        + jnp.sum(codebook ** 2, axis=1)
        - 2.0 * jnp.matmul(flatten_ze, codebook.T)
    )
    encoding_indices = jnp.argmin(distances, axis=1)
    # scatter_(1, idx, 1) -> one-hot encodings
    encodings = jax.nn.one_hot(encoding_indices, p, dtype=jnp.float32)
    quantized = jnp.matmul(encodings, codebook).reshape(input_shape)
    # permute(0, 3, 1, 2)
    return jnp.transpose(quantized, (0, 3, 1, 2))

if __name__ == "__main__":
    import jax
    _d = setup_inputs()
    print(jax.jit(kernel)(*tuple(_d.values())))

</pallas_src>

<mosaic_0001>
#map = affine_map<(d0, d1) -> (0, 0)>
#map1 = affine_map<(d0, d1) -> (0, 0, 0)>
module attributes {stable_mosaic.version = 14 : i64} {
  func.func @_gather_kernel(%arg0: i32, %arg1: i32, %arg2: memref<128x128xi32, #tpu.memory_space<hbm>>, %arg3: memref<8192x128xf32, #tpu.memory_space<hbm>>, %arg4: memref<128x128x128xf32, #tpu.memory_space<hbm>>, %arg5: memref<4x128xi32, #tpu.memory_space<vmem>>, %arg6: memref<4x128x128xf32, #tpu.memory_space<vmem>>, %arg7: memref<!tpu.dma_semaphore, #tpu.memory_space<semaphore_mem>>) attributes {dimension_semantics = [#tpu.dimension_semantics<core_parallel>, #tpu.dimension_semantics<subcore_parallel>], iteration_bounds = array<i64: 2, 16>, scalar_prefetch = 0 : i64, scratch_operands = 3 : i64, tpu.core_type = #tpu.core_type<sc_vector_subcore>, window_params = [{transform_indices = #map}, {transform_indices = #map}, {transform_indices = #map1}]} {
    %mul3A = arith.constant 2 : i32
    %mul3A_0 = arith.muli %arg1, %mul3A : i32
    %add3A = arith.addi %mul3A_0, %arg0 : i32
    %mul3A_1 = arith.constant 4 : i32
    %mul3A_2 = arith.muli %add3A, %mul3A_1 : i32
    "tpu.region"() ({
      %run_scoped3A = tpu.sem_alloc : memref<!tpu.dma_semaphore, #tpu.memory_space<semaphore_mem>>
      %dma_start3A_97 = arith.constant 0 : i32
      %dma_start3A_98 = tpu.memref_slice %arg2[%mul3A_2, %dma_start3A_97] : memref<128x128xi32, #tpu.memory_space<hbm>> -> memref<4x128xi32, #tpu.memory_space<hbm>>
      %dma_start3A_99 = arith.constant 0 : i32
      %dma_start3A_100 = tpu.memref_slice %arg2[%mul3A_2, %dma_start3A_99] : memref<128x128xi32, #tpu.memory_space<hbm>> -> memref<4x128xi32, #tpu.memory_space<hbm>>
      tpu.enqueue_dma source(%dma_start3A_100 : memref<4x128xi32, #tpu.memory_space<hbm>>) target(%arg5 : memref<4x128xi32, #tpu.memory_space<vmem>>) target_semaphore(%run_scoped3A : memref<!tpu.dma_semaphore, #tpu.memory_space<semaphore_mem>>)
      %dma_wait3A_101 = arith.constant 0 : i32
      %dma_wait3A_102 = tpu.memref_slice %arg2[%mul3A_2, %dma_wait3A_101] : memref<128x128xi32, #tpu.memory_space<hbm>> -> memref<4x128xi32, #tpu.memory_space<hbm>>
      %dma_wait3A_103 = arith.constant 0 : i32
      %dma_wait3A_104 = tpu.memref_slice %arg2[%mul3A_2, %dma_wait3A_103] : memref<128x128xi32, #tpu.memory_space<hbm>> -> memref<4x128xi32, #tpu.memory_space<hbm>>
      tpu.wait_dma2 semaphore(%run_scoped3A : memref<!tpu.dma_semaphore, #tpu.memory_space<semaphore_mem>>) src(%dma_wait3A_104 : memref<4x128xi32, #tpu.memory_space<hbm>>) dst(%arg5 : memref<4x128xi32, #tpu.memory_space<vmem>>)
      tpu.yield
    }) : () -> ()
    %dma_start3A = arith.constant 0 : i32
    %dma_start3A_3 = arith.constant 0 : i32
    %dma_start3A_4 = arith.constant 0 : i32
    %dma_start3A_5 = arith.constant 0 : i32
    %dma_start3A_6 = tpu.memref_slice %arg6[%dma_start3A_3, %dma_start3A_4, %dma_start3A_5] : memref<4x128x128xf32, #tpu.memory_space<vmem>> -> memref<1x128x128xf32, #tpu.memory_space<vmem>>
    %dma_start3A_7 = tpu.memref_squeeze %dma_start3A_6 : memref<1x128x128xf32, #tpu.memory_space<vmem>> -> memref<128x128xf32, #tpu.memory_space<vmem>>
    %dma_start3A_8 = arith.constant 0 : i32
    %dma_start3A_9 = tpu.memref_slice %arg5[%dma_start3A, %dma_start3A_8] : memref<4x128xi32, #tpu.memory_space<vmem>> -> memref<1x128xi32, #tpu.memory_space<vmem>>
    %dma_start3A_10 = tpu.memref_squeeze %dma_start3A_9 : memref<1x128xi32, #tpu.memory_space<vmem>> -> memref<128xi32, #tpu.memory_space<vmem>>
    %dma_start3A_11 = arith.constant 0 : i32
    %dma_start3A_12 = arith.constant 0 : i32
    %dma_start3A_13 = tpu.memref_slice %arg3[%dma_start3A_11, %dma_start3A_12] : memref<8192x128xf32, #tpu.memory_space<hbm>> -> memref<8192x128xf32, #tpu.memory_space<hbm>>
    tpu.enqueue_indirect_dma source(%dma_start3A_13 : memref<8192x128xf32, #tpu.memory_space<hbm>>) target(%dma_start3A_7 : memref<128x128xf32, #tpu.memory_space<vmem>>) offsets(%dma_start3A_10 : memref<128xi32, #tpu.memory_space<vmem>>) semaphore(%arg7 : memref<!tpu.dma_semaphore, #tpu.memory_space<semaphore_mem>>)
    %dma_wait3A = arith.constant 0 : i32
    %dma_wait3A_14 = arith.constant 0 : i32
    %dma_wait3A_15 = arith.constant 0 : i32
    %dma_wait3A_16 = arith.constant 0 : i32
    %dma_wait3A_17 = tpu.memref_slice %arg6[%dma_wait3A_14, %dma_wait3A_15, %dma_wait3A_16] : memref<4x128x128xf32, #tpu.memory_space<vmem>> -> memref<1x128x128xf32, #tpu.memory_space<vmem>>
    %dma_wait3A_18 = tpu.memref_squeeze %dma_wait3A_17 : memref<1x128x128xf32, #tpu.memory_space<vmem>> -> memref<128x128xf32, #tpu.memory_space<vmem>>
    %dma_wait3A_19 = arith.constant 0 : i32
    %dma_wait3A_20 = tpu.memref_slice %arg5[%dma_wait3A, %dma_wait3A_19] : memref<4x128xi32, #tpu.memory_space<vmem>> -> memref<1x128xi32, #tpu.memory_space<vmem>>
    %dma_wait3A_21 = tpu.memref_squeeze %dma_wait3A_20 : memref<1x128xi32, #tpu.memory_space<vmem>> -> memref<128xi32, #tpu.memory_space<vmem>>
    %dma_wait3A_22 = arith.constant 0 : i32
    %dma_wait3A_23 = arith.constant 0 : i32
    %dma_wait3A_24 = tpu.memref_slice %arg3[%dma_wait3A_22, %dma_wait3A_23] : memref<8192x128xf32, #tpu.memory_space<hbm>> -> memref<8192x128xf32, #tpu.memory_space<hbm>>
    tpu.wait_indirect_dma semaphore(%arg7 : memref<!tpu.dma_semaphore, #tpu.memory_space<semaphore_mem>>) src(%dma_wait3A_24 : memref<8192x128xf32, #tpu.memory_space<hbm>>) dst(%dma_wait3A_18 : memref<128x128xf32, #tpu.memory_space<vmem>>)
    %dma_start3A_25 = arith.constant 1 : i32
    %dma_start3A_26 = arith.constant 1 : i32
    %dma_start3A_27 = arith.constant 0 : i32
    %dma_start3A_28 = arith.constant 0 : i32
    %dma_start3A_29 = tpu.memref_slice %arg6[%dma_start3A_26, %dma_start3A_27, %dma_start3A_28] : memref<4x128x128xf32, #tpu.memory_space<vmem>> -> memref<1x128x128xf32, #tpu.memory_space<vmem>>
    %dma_start3A_30 = tpu.memref_squeeze %dma_start3A_29 : memref<1x128x128xf32, #tpu.memory_space<vmem>> -> memref<128x128xf32, #tpu.memory_space<vmem>>
    %dma_start3A_31 = arith.constant 0 : i32
    %dma_start3A_32 = tpu.memref_slice %arg5[%dma_start3A_25, %dma_start3A_31] : memref<4x128xi32, #tpu.memory_space<vmem>> -> memref<1x128xi32, #tpu.memory_space<vmem>>
    %dma_start3A_33 = tpu.memref_squeeze %dma_start3A_32 : memref<1x128xi32, #tpu.memory_space<vmem>> -> memref<128xi32, #tpu.memory_space<vmem>>
    %dma_start3A_34 = arith.constant 0 : i32
    %dma_start3A_35 = arith.constant 0 : i32
    %dma_start3A_36 = tpu.memref_slice %arg3[%dma_start3A_34, %dma_start3A_35] : memref<8192x128xf32, #tpu.memory_space<hbm>> -> memref<8192x128xf32, #tpu.memory_space<hbm>>
    tpu.enqueue_indirect_dma source(%dma_start3A_36 : memref<8192x128xf32, #tpu.memory_space<hbm>>) target(%dma_start3A_30 : memref<128x128xf32, #tpu.memory_space<vmem>>) offsets(%dma_start3A_33 : memref<128xi32, #tpu.memory_space<vmem>>) semaphore(%arg7 : memref<!tpu.dma_semaphore, #tpu.memory_space<semaphore_mem>>)
    %dma_wait3A_37 = arith.constant 1 : i32
    %dma_wait3A_38 = arith.constant 1 : i32
    %dma_wait3A_39 = arith.constant 0 : i32
    %dma_wait3A_40 = arith.constant 0 : i32
    %dma_wait3A_41 = tpu.memref_slice %arg6[%dma_wait3A_38, %dma_wait3A_39, %dma_wait3A_40] : memref<4x128x128xf32, #tpu.memory_space<vmem>> -> memref<1x128x128xf32, #tpu.memory_space<vmem>>
    %dma_wait3A_42 = tpu.memref_squeeze %dma_wait3A_41 : memref<1x128x128xf32, #tpu.memory_space<vmem>> -> memref<128x128xf32, #tpu.memory_space<vmem>>
    %dma_wait3A_43 = arith.constant 0 : i32
    %dma_wait3A_44 = tpu.memref_slice %arg5[%dma_wait3A_37, %dma_wait3A_43] : memref<4x128xi32, #tpu.memory_space<vmem>> -> memref<1x128xi32, #tpu.memory_space<vmem>>
    %dma_wait3A_45 = tpu.memref_squeeze %dma_wait3A_44 : memref<1x128xi32, #tpu.memory_space<vmem>> -> memref<128xi32, #tpu.memory_space<vmem>>
    %dma_wait3A_46 = arith.constant 0 : i32
    %dma_wait3A_47 = arith.constant 0 : i32
    %dma_wait3A_48 = tpu.memref_slice %arg3[%dma_wait3A_46, %dma_wait3A_47] : memref<8192x128xf32, #tpu.memory_space<hbm>> -> memref<8192x128xf32, #tpu.memory_space<hbm>>
    tpu.wait_indirect_dma semaphore(%arg7 : memref<!tpu.dma_semaphore, #tpu.memory_space<semaphore_mem>>) src(%dma_wait3A_48 : memref<8192x128xf32, #tpu.memory_space<hbm>>) dst(%dma_wait3A_42 : memref<128x128xf32, #tpu.memory_space<vmem>>)
    %dma_start3A_49 = arith.constant 2 : i32
    %dma_start3A_50 = arith.constant 2 : i32
    %dma_start3A_51 = arith.constant 0 : i32
    %dma_start3A_52 = arith.constant 0 : i32
    %dma_start3A_53 = tpu.memref_slice %arg6[%dma_start3A_50, %dma_start3A_51, %dma_start3A_52] : memref<4x128x128xf32, #tpu.memory_space<vmem>> -> memref<1x128x128xf32, #tpu.memory_space<vmem>>
    %dma_start3A_54 = tpu.memref_squeeze %dma_start3A_53 : memref<1x128x128xf32, #tpu.memory_space<vmem>> -> memref<128x128xf32, #tpu.memory_space<vmem>>
    %dma_start3A_55 = arith.constant 0 : i32
    %dma_start3A_56 = tpu.memref_slice %arg5[%dma_start3A_49, %dma_start3A_55] : memref<4x128xi32, #tpu.memory_space<vmem>> -> memref<1x128xi32, #tpu.memory_space<vmem>>
    %dma_start3A_57 = tpu.memref_squeeze %dma_start3A_56 : memref<1x128xi32, #tpu.memory_space<vmem>> -> memref<128xi32, #tpu.memory_space<vmem>>
    %dma_start3A_58 = arith.constant 0 : i32
    %dma_start3A_59 = arith.constant 0 : i32
    %dma_start3A_60 = tpu.memref_slice %arg3[%dma_start3A_58, %dma_start3A_59] : memref<8192x128xf32, #tpu.memory_space<hbm>> -> memref<8192x128xf32, #tpu.memory_space<hbm>>
    tpu.enqueue_indirect_dma source(%dma_start3A_60 : memref<8192x128xf32, #tpu.memory_space<hbm>>) target(%dma_start3A_54 : memref<128x128xf32, #tpu.memory_space<vmem>>) offsets(%dma_start3A_57 : memref<128xi32, #tpu.memory_space<vmem>>) semaphore(%arg7 : memref<!tpu.dma_semaphore, #tpu.memory_space<semaphore_mem>>)
    %dma_wait3A_61 = arith.constant 2 : i32
    %dma_wait3A_62 = arith.constant 2 : i32
    %dma_wait3A_63 = arith.constant 0 : i32
    %dma_wait3A_64 = arith.constant 0 : i32
    %dma_wait3A_65 = tpu.memref_slice %arg6[%dma_wait3A_62, %dma_wait3A_63, %dma_wait3A_64] : memref<4x128x128xf32, #tpu.memory_space<vmem>> -> memref<1x128x128xf32, #tpu.memory_space<vmem>>
    %dma_wait3A_66 = tpu.memref_squeeze %dma_wait3A_65 : memref<1x128x128xf32, #tpu.memory_space<vmem>> -> memref<128x128xf32, #tpu.memory_space<vmem>>
    %dma_wait3A_67 = arith.constant 0 : i32
    %dma_wait3A_68 = tpu.memref_slice %arg5[%dma_wait3A_61, %dma_wait3A_67] : memref<4x128xi32, #tpu.memory_space<vmem>> -> memref<1x128xi32, #tpu.memory_space<vmem>>
    %dma_wait3A_69 = tpu.memref_squeeze %dma_wait3A_68 : memref<1x128xi32, #tpu.memory_space<vmem>> -> memref<128xi32, #tpu.memory_space<vmem>>
    %dma_wait3A_70 = arith.constant 0 : i32
    %dma_wait3A_71 = arith.constant 0 : i32
    %dma_wait3A_72 = tpu.memref_slice %arg3[%dma_wait3A_70, %dma_wait3A_71] : memref<8192x128xf32, #tpu.memory_space<hbm>> -> memref<8192x128xf32, #tpu.memory_space<hbm>>
    tpu.wait_indirect_dma semaphore(%arg7 : memref<!tpu.dma_semaphore, #tpu.memory_space<semaphore_mem>>) src(%dma_wait3A_72 : memref<8192x128xf32, #tpu.memory_space<hbm>>) dst(%dma_wait3A_66 : memref<128x128xf32, #tpu.memory_space<vmem>>)
    %dma_start3A_73 = arith.constant 3 : i32
    %dma_start3A_74 = arith.constant 3 : i32
    %dma_start3A_75 = arith.constant 0 : i32
    %dma_start3A_76 = arith.constant 0 : i32
    %dma_start3A_77 = tpu.memref_slice %arg6[%dma_start3A_74, %dma_start3A_75, %dma_start3A_76] : memref<4x128x128xf32, #tpu.memory_space<vmem>> -> memref<1x128x128xf32, #tpu.memory_space<vmem>>
    %dma_start3A_78 = tpu.memref_squeeze %dma_start3A_77 : memref<1x128x128xf32, #tpu.memory_space<vmem>> -> memref<128x128xf32, #tpu.memory_space<vmem>>
    %dma_start3A_79 = arith.constant 0 : i32
    %dma_start3A_80 = tpu.memref_slice %arg5[%dma_start3A_73, %dma_start3A_79] : memref<4x128xi32, #tpu.memory_space<vmem>> -> memref<1x128xi32, #tpu.memory_space<vmem>>
    %dma_start3A_81 = tpu.memref_squeeze %dma_start3A_80 : memref<1x128xi32, #tpu.memory_space<vmem>> -> memref<128xi32, #tpu.memory_space<vmem>>
    %dma_start3A_82 = arith.constant 0 : i32
    %dma_start3A_83 = arith.constant 0 : i32
    %dma_start3A_84 = tpu.memref_slice %arg3[%dma_start3A_82, %dma_start3A_83] : memref<8192x128xf32, #tpu.memory_space<hbm>> -> memref<8192x128xf32, #tpu.memory_space<hbm>>
    tpu.enqueue_indirect_dma source(%dma_start3A_84 : memref<8192x128xf32, #tpu.memory_space<hbm>>) target(%dma_start3A_78 : memref<128x128xf32, #tpu.memory_space<vmem>>) offsets(%dma_start3A_81 : memref<128xi32, #tpu.memory_space<vmem>>) semaphore(%arg7 : memref<!tpu.dma_semaphore, #tpu.memory_space<semaphore_mem>>)
    %dma_wait3A_85 = arith.constant 3 : i32
    %dma_wait3A_86 = arith.constant 3 : i32
    %dma_wait3A_87 = arith.constant 0 : i32
    %dma_wait3A_88 = arith.constant 0 : i32
    %dma_wait3A_89 = tpu.memref_slice %arg6[%dma_wait3A_86, %dma_wait3A_87, %dma_wait3A_88] : memref<4x128x128xf32, #tpu.memory_space<vmem>> -> memref<1x128x128xf32, #tpu.memory_space<vmem>>
    %dma_wait3A_90 = tpu.memref_squeeze %dma_wait3A_89 : memref<1x128x128xf32, #tpu.memory_space<vmem>> -> memref<128x128xf32, #tpu.memory_space<vmem>>
    %dma_wait3A_91 = arith.constant 0 : i32
    %dma_wait3A_92 = tpu.memref_slice %arg5[%dma_wait3A_85, %dma_wait3A_91] : memref<4x128xi32, #tpu.memory_space<vmem>> -> memref<1x128xi32, #tpu.memory_space<vmem>>
    %dma_wait3A_93 = tpu.memref_squeeze %dma_wait3A_92 : memref<1x128xi32, #tpu.memory_space<vmem>> -> memref<128xi32, #tpu.memory_space<vmem>>
    %dma_wait3A_94 = arith.constant 0 : i32
    %dma_wait3A_95 = arith.constant 0 : i32
    %dma_wait3A_96 = tpu.memref_slice %arg3[%dma_wait3A_94, %dma_wait3A_95] : memref<8192x128xf32, #tpu.memory_space<hbm>> -> memref<8192x128xf32, #tpu.memory_space<hbm>>
    tpu.wait_indirect_dma semaphore(%arg7 : memref<!tpu.dma_semaphore, #tpu.memory_space<semaphore_mem>>) src(%dma_wait3A_96 : memref<8192x128xf32, #tpu.memory_space<hbm>>) dst(%dma_wait3A_90 : memref<128x128xf32, #tpu.memory_space<vmem>>)
    "tpu.region"() ({
      %run_scoped3A = tpu.sem_alloc : memref<!tpu.dma_semaphore, #tpu.memory_space<semaphore_mem>>
      %dma_start3A_97 = arith.constant 0 : i32
      %dma_start3A_98 = arith.constant 0 : i32
      %dma_start3A_99 = tpu.memref_slice %arg4[%mul3A_2, %dma_start3A_97, %dma_start3A_98] : memref<128x128x128xf32, #tpu.memory_space<hbm>> -> memref<4x128x128xf32, #tpu.memory_space<hbm>>
      %dma_start3A_100 = arith.constant 0 : i32
      %dma_start3A_101 = arith.constant 0 : i32
      %dma_start3A_102 = tpu.memref_slice %arg4[%mul3A_2, %dma_start3A_100, %dma_start3A_101] : memref<128x128x128xf32, #tpu.memory_space<hbm>> -> memref<4x128x128xf32, #tpu.memory_space<hbm>>
      tpu.enqueue_dma source(%arg6 : memref<4x128x128xf32, #tpu.memory_space<vmem>>) target(%dma_start3A_102 : memref<4x128x128xf32, #tpu.memory_space<hbm>>) target_semaphore(%run_scoped3A : memref<!tpu.dma_semaphore, #tpu.memory_space<semaphore_mem>>)
      %dma_wait3A_103 = arith.constant 0 : i32
      %dma_wait3A_104 = arith.constant 0 : i32
      %dma_wait3A_105 = tpu.memref_slice %arg4[%mul3A_2, %dma_wait3A_103, %dma_wait3A_104] : memref<128x128x128xf32, #tpu.memory_space<hbm>> -> memref<4x128x128xf32, #tpu.memory_space<hbm>>
      %dma_wait3A_106 = arith.constant 0 : i32
      %dma_wait3A_107 = arith.constant 0 : i32
      %dma_wait3A_108 = tpu.memref_slice %arg4[%mul3A_2, %dma_wait3A_106, %dma_wait3A_107] : memref<128x128x128xf32, #tpu.memory_space<hbm>> -> memref<4x128x128xf32, #tpu.memory_space<hbm>>
      tpu.wait_dma2 semaphore(%run_scoped3A : memref<!tpu.dma_semaphore, #tpu.memory_space<semaphore_mem>>) src(%arg6 : memref<4x128x128xf32, #tpu.memory_space<vmem>>) dst(%dma_wait3A_108 : memref<4x128x128xf32, #tpu.memory_space<hbm>>)
      tpu.yield
    }) : () -> ()
    return
  }
}

module attributes {stable_mosaic.version = 14 : i64} {
  func.func @_argmin_body(%arg0: i32, %arg1: memref<1x32x1024xf32, #tpu.memory_space<vmem>>, %arg2: memref<8192x32xf32, #tpu.memory_space<vmem>>, %arg3: memref<1x1x1024xi32, #tpu.memory_space<vmem>>, %arg4: memref<8192x1xf32, #tpu.memory_space<vmem>>) attributes {dimension_semantics = [#tpu.dimension_semantics<arbitrary>], iteration_bounds = array<i64: 16>, scalar_prefetch = 0 : i64, scratch_operands = 1 : i64, tpu.core_type = #tpu.core_type<tc>, window_params = [{transform_indices = @transform_0, window_bounds = array<i64: 1, 32, 1024>}, {pipeline_mode = #tpu.pipeline_mode<synchronous>, transform_indices = @transform_1, window_bounds = array<i64: 8192, 32>}, {transform_indices = @transform_2, window_bounds = array<i64: 1, 1, 1024>}]} {
    %eq3A = arith.constant 0 : i32
    %eq3A_0 = arith.cmpi eq, %arg0, %eq3A : i32
    %convert_element_type3A = arith.extui %eq3A_0 : i1 to i32
    %cond3A = arith.constant 0 : i32
    %cond3A_1 = arith.cmpi ne, %convert_element_type3A, %cond3A : i32
    scf.if %cond3A_1 {
      %get3A_19 = arith.constant 0 : index
      %get3A_20 = arith.constant 0 : index
      %get3A_21 = vector.load %arg2[%get3A_19, %get3A_20] : memref<8192x32xf32, #tpu.memory_space<vmem>>, vector<8192x32xf32>
      %mul3A_22 = arith.mulf %get3A_21, %get3A_21 : vector<8192x32xf32>
      %reduce_sum3A = arith.constant dense<0.000000e+00> : vector<8192xf32>
      %reduce_sum3A_23 = vector.multi_reduction <add>, %mul3A_22, %reduce_sum3A [1] : vector<8192x32xf32> to vector<8192xf32>
      %broadcast_in_dim3A = vector.shape_cast %reduce_sum3A_23 : vector<8192xf32> to vector<8192x1xf32>
      %swap3A_24 = arith.constant 0 : index
      %swap3A_25 = arith.constant 0 : index
      %swap3A_26 = vector.load %arg4[%swap3A_24, %swap3A_25] : memref<8192x1xf32, #tpu.memory_space<vmem>>, vector<8192x1xf32>
      tpu.vector_store %arg4[%swap3A_24, %swap3A_25], %broadcast_in_dim3A {strides = array<i32>} : memref<8192x1xf32, #tpu.memory_space<vmem>>, vector<8192x1xf32>,
    } else {
    }
    %get3A = arith.constant 0 : index
    %get3A_2 = arith.constant 0 : index
    %get3A_3 = arith.constant 0 : index
    %get3A_4 = vector.load %arg1[%get3A, %get3A_2, %get3A_3] : memref<1x32x1024xf32, #tpu.memory_space<vmem>>, vector<1x32x1024xf32>
    %get3A_5 = vector.shape_cast %get3A_4 : vector<1x32x1024xf32> to vector<32x1024xf32>
    %mul3A = arith.constant -2.000000e+00 : f32
    %mul3A_6 = vector.broadcast %mul3A : f32 to vector<32x1024xf32>
    %mul3A_7 = arith.mulf %get3A_5, %mul3A_6 : vector<32x1024xf32>
    %get3A_8 = arith.constant 0 : index
    %get3A_9 = arith.constant 0 : index
    %get3A_10 = vector.load %arg2[%get3A_8, %get3A_9] : memref<8192x32xf32, #tpu.memory_space<vmem>>, vector<8192x32xf32>
    %dot_general3A = arith.constant dense<0.000000e+00> : vector<8192x1024xf32>
    %dot_general3A_11 = tpu.matmul %get3A_10, %mul3A_7, %dot_general3A {dimension_numbers = #tpu.dot_dimension_numbers<[1], [0], [0], [1], [0, 0, 1, 1], [], []>, transpose_lhs_hint = false} : vector<8192x32xf32>, vector<32x1024xf32>, vector<8192x1024xf32> -> vector<8192x1024xf32>
    %get3A_12 = arith.constant 0 : index
    %get3A_13 = arith.constant 0 : index
    %get3A_14 = vector.load %arg4[%get3A_12, %get3A_13] : memref<8192x1xf32, #tpu.memory_space<vmem>>, vector<8192x1xf32>
    %add3A = vector.broadcast %get3A_14 : vector<8192x1xf32> to vector<8192x1024xf32>
    %add3A_15 = arith.addf %add3A, %dot_general3A_11 : vector<8192x1024xf32>
    %argmin3A = tpu.reduce_index %add3A_15 {axis = 0 : i32, kind = #tpu.reduction_kind<arg_min>} : vector<8192x1024xf32> -> vector<1024xi32>
    %reshape3A = vector.shape_cast %argmin3A : vector<1024xi32> to vector<1x1x1024xi32>
    %swap3A = arith.constant 0 : index
    %swap3A_16 = arith.constant 0 : index
    %swap3A_17 = arith.constant 0 : index
    %swap3A_18 = vector.load %arg3[%swap3A, %swap3A_16, %swap3A_17] : memref<1x1x1024xi32, #tpu.memory_space<vmem>>, vector<1x1x1024xi32>
    tpu.vector_store %arg3[%swap3A, %swap3A_16, %swap3A_17], %reshape3A {strides = array<i32>} : memref<1x1x1024xi32, #tpu.memory_space<vmem>>, vector<1x1x1024xi32>,
    return
  }
  func.func @transform_0(%arg0: i32) -> (i32, i32, i32) {
    %c0_i32 = arith.constant 0 : i32
    %c0_i32_0 = arith.constant 0 : i32
    %c0_i32_1 = arith.constant 0 : i32
    return %arg0, %c0_i32, %c0_i32_0 : i32, i32, i32
  }
  func.func @transform_1(%arg0: i32) -> (i32, i32) {
    %c0_i32 = arith.constant 0 : i32
    %c0_i32_0 = arith.constant 0 : i32
    %c0_i32_1 = arith.constant 0 : i32
    return %c0_i32, %c0_i32_0 : i32, i32
  }
  func.func @transform_2(%arg0: i32) -> (i32, i32, i32) {
    %c0_i32 = arith.constant 0 : i32
    %c0_i32_0 = arith.constant 0 : i32
    %c0_i32_1 = arith.constant 0 : i32
    return %arg0, %c0_i32, %c0_i32_0 : i32, i32, i32
  }
}

</mosaic_0001>

<sc_bundles>
// kernel: kernel.4.cloned.1.call-start
scs
__scs_entry_jumppad:
0x0: {  	(pc) =	sbr.rel $0x88, $3  }
0x1: {  	(tag) =	ssettag $0x0;
	lr =	simm.s32 $0x1  }
0x2: {  	[smem:$0x3F9F] =	sst lr;
	_ =	strace $0xD0000000  }
0x3: {  	_ = 	snop  }
0x4: {  	_ = 	snop  }
0x5: {  	_ = 	snop  }
0x6: {  	_ = 	snop  }
0x7: {  	_ = 	snop  }
__scs_overlays_trampoline_lowered:
0x8: {  	[smem:$0x3FAE] =	sst s0  }
0x9: {  	[smem:$0x3FAF] =	sst s1  }
0xa: {  	[smem:$0x3FB0] =	sst s2  }
0xb: {  	[smem:$0x3FB1] =	sst s3  }
0xc: {  	[smem:$0x3FB2] =	sst s4  }
0xd: {  	[smem:$0x3FB3] =	sst s5  }
0xe: {  	[smem:$0x3FB4] =	sst s6  }
0xf: {  	[smem:$0x3FB5] =	sst s7  }
0x10: {  	[smem:$0x3FB6] =	sst s8  }
0x11: {  	[smem:$0x3FB7] =	sst s9;
	s0 =	simm.s32 @!p0 $0x0  }
0x12: {  	s1 =	sld [smem:$0x3F9D];
	s0 =	simm.s32 @p0 $0x1  }
0x13: {  	[smem:$0x3FB8] =	sst s0;
	s0 =	simm.s32 @!p1 $0x0  }
0x14: {  	s2 =	sld [smem:$0x3F9C];
	s0 =	simm.s32 @p1 $0x1  }
0x15: {  	[smem:$0x3FB9] =	sst s0;
	s0 =	simm.s32 @!p2 $0x0  }
0x16: {  	s3 =	sld [smem:$0x3FDB];
	s0 =	simm.s32 @p2 $0x1  }
0x17: {  	s4 =	simm.s32 $0x1BF5;
	[smem:$0x3FBB] =	sst s0  }
0x18: {  	s0 =	sld [smem:$0x3F9E];
	_ =	swait.ge [sflag:s4], $0x0  }
0x19: {  	s7 =	sld [smem:$0x3F9F]  }
0x1a: {  	s8 =	sadd.s32 $0xFFFFE003, lr  }
0x1b: {  	s9 =	sadd.s32 $0xFFFFFEF7, lr;
	s5 =	simm.s32 $0xFFFFFFFF;
	p2 =	slt.u32 s8, $0xFFFFF086  }
0x1c: {  	p1 =	slt.u32 s9, $0xF7A;
	s5 =	simm.s32 @!p2 $0x0  }
0x1d: {  	s5 =	simm.s32 @p1 $0x1;
	p0 =	seq.s32 s7, s2  }
0x1e: {  	s7 =	smul.u32 @!p0 $0xF7A, s2;
	p2 =	seq.s32 @!p0 s5, $0x0  }
0x1f: {  	s9 =	smul.u32 $0xF7A, s1;
	s8 =	simm.s32 @!p0 $0x1BF5;
	p2 =	por !p2, p0  }
0x20: {  	[sflag:s8] =	ssyncset.s32 @!p0 $0xFFFFF086;
	s6 =	sadd.s32 @!p0 s3, s7;
	s7 =	simm.s32 @!p0 $0x108  }
0x21: {  	s3 =	sadd.s32 s3, s9;
	s6 =	sadd.s32 @!p0 $0x88, s6;
	s7 =	simm.s32 @p2 $0x1082  }
0x22: {  	[simem:s7], [sflag:s8] =	dma.local @!p0 [hbm:s6], $0xF7A  }
0x23: {  	s9 =	sor.u32 $0xD0000000, s2;
	s6 =	simm.s32 $0x108;
	_ =	swait.ge @!p0 [sflag:s8], $0x0  }
0x24: {  	s3 =	sadd.s32 $0x88, s3;
	s6 =	simm.s32 @!p1 $0x1082;
	[sflag:s4] =	ssyncset.s32 $0xFFFFF086  }
0x25: {  	[simem:s6], [sflag:s4] =	dma.local [hbm:s3], $0xF7A  }
0x26: {  	[smem:$0x3F9F] =	sst s1;
	(tag) =	ssettag s2;
	_ =	strace s9  }
0x27: {  	s1 =	sld [smem:$0x3FAF]  }
0x28: {  	s2 =	sld [smem:$0x3FB0]  }
0x29: {  	s4 =	sld [smem:$0x3FB2]  }
0x2a: {  	p0 =	seq.s32 s5, $0x0;
	s5 =	sld [smem:$0x3FB3]  }
0x2b: {  	s6 =	sld [smem:$0x3FB4]  }
0x2c: {  	s7 =	sld [smem:$0x3FB5]  }
0x2d: {  	s3 =	simm.s32 $0x108;
	s8 =	sld [smem:$0x3FB6]  }
0x2e: {  	s3 =	simm.s32 @!p0 $0x1082;
	s9 =	sld [smem:$0x3FB7]  }
0x2f: {  	lr =	sadd.s32 s0, s3;
	s0 =	sld [smem:$0x3FAE]  }
0x30: {  	s3 =	sld [smem:$0x3FB1]  }
0x31: {  	[smem:$0x3FBA] =	sst s10  }
0x32: {  	s10 =	sld [smem:$0x3FB8];
	_ =	sdelay $0x3  }
0x33: {  	p0 =	seq.s32 s10, $0x1;
	s10 =	sld [smem:$0x3FBA];
	_ =	sdelay $0x3  }
0x34: {  	[smem:$0x3FBA] =	sst s10  }
0x35: {  	s10 =	sld [smem:$0x3FB9];
	_ =	sdelay $0x3  }
0x36: {  	p1 =	seq.s32 s10, $0x1;
	s10 =	sld [smem:$0x3FBA];
	_ =	sdelay $0x3  }
0x37: {  	[smem:$0x3FBA] =	sst s10  }
0x38: {  	s10 =	sld [smem:$0x3FBB]  }
0x39: {  	_ = 	snop;
	(pc) =	sbr.ind lr, $3  }
0x3a: {  	_ = 	snop  }
0x3b: {  	_ = 	snop  }
0x3c: {  	p2 =	seq.s32 s10, $0x1;
	s10 =	sld [smem:$0x3FBA]  }
0x3d: {  	_ =	shalt  }
0x3e: {  	_ =	shalt  }
0x3f: {  	_ =	shalt  }
0x40: {  	_ =	shalt  }
0x41: {  	_ =	shalt  }
0x42: {  	_ =	shalt  }
0x43: {  	_ =	shalt  }
0x44: {  	_ =	shalt  }
0x45: {  	_ =	shalt  }
0x46: {  	_ =	shalt  }
0x47: {  	_ =	shalt  }
0x48: {  	_ =	shalt  }
0x49: {  	_ =	shalt  }
0x4a: {  	_ =	shalt  }
0x4b: {  	_ =	shalt  }
0x4c: {  	_ =	shalt  }
0x4d: {  	_ =	shalt  }
0x4e: {  	_ =	shalt  }
0x4f: {  	_ =	shalt  }
0x50: {  	_ =	shalt  }
0x51: {  	_ =	shalt  }
0x52: {  	_ =	shalt  }
0x53: {  	_ =	shalt  }
0x54: {  	_ =	shalt  }
0x55: {  	_ =	shalt  }
0x56: {  	_ =	shalt  }
0x57: {  	_ =	shalt  }
0x58: {  	_ =	shalt  }
0x59: {  	_ =	shalt  }
0x5a: {  	_ =	shalt  }
0x5b: {  	_ =	shalt  }
0x5c: {  	_ =	shalt  }
0x5d: {  	_ =	shalt  }
0x5e: {  	_ =	shalt  }
0x5f: {  	_ =	shalt  }
0x60: {  	_ =	shalt  }
0x61: {  	_ =	shalt  }
0x62: {  	_ =	shalt  }
0x63: {  	_ =	shalt  }
0x64: {  	_ =	shalt  }
0x65: {  	_ =	shalt  }
0x66: {  	_ =	shalt  }
0x67: {  	_ =	shalt  }
0x68: {  	_ =	shalt  }
0x69: {  	_ =	shalt  }
0x6a: {  	_ =	shalt  }
0x6b: {  	_ =	shalt  }
0x6c: {  	_ =	shalt  }
0x6d: {  	_ =	shalt  }
0x6e: {  	_ =	shalt  }
0x6f: {  	_ =	shalt  }
0x70: {  	_ =	shalt  }
0x71: {  	_ =	shalt  }
0x72: {  	_ =	shalt  }
0x73: {  	_ =	shalt  }
0x74: {  	_ =	shalt  }
0x75: {  	_ =	shalt  }
0x76: {  	_ =	shalt  }
0x77: {  	_ =	shalt  }
0x78: {  	_ =	shalt  }
0x79: {  	_ =	shalt  }
0x7a: {  	_ =	shalt  }
0x7b: {  	_ =	shalt  }
0x7c: {  	_ =	shalt  }
0x7d: {  	_ =	shalt  }
0x7e: {  	_ =	shalt  }
0x7f: {  	_ =	shalt  }
0x80: {  	_ =	shalt  }
0x81: {  	_ =	shalt  }
0x82: {  	_ =	shalt  }
0x83: {  	_ =	shalt  }
0x84: {  	_ =	shalt  }
0x85: {  	_ =	shalt  }
0x86: {  	_ =	shalt  }
0x87: {  	_ =	shalt  }
.Lfunc_end0:
.L_simem_size_0:
called_computation_lowered:
.L_overlay_start_0:
0x88: {  	s2 =	sld [smem:$0x3FD9]  }
0x89: {  	s3 =	sld [smem:$0x3FFE];
	_ =	sdelay $0x1  }
0x8a: {  	s1 =	srdreg.scid  }
0x8b: {  	s0 =	sand.u32 $0x1, s1  }
0x8c: {  	s17 =	sshll.u32 s0, $0xA;
	s2 =	sadd.s32 s3, s2  }
0x8d: {  	s2 =	sadd.s32 s2, s17  }
0x8e: {  	[smem:$0x3FC6] =	sst s2  }
0x8f: {  	_ = 	snop  }
0x90: {  	s2 =	sld [smem:$0x3FD0];
	(tm) =	ssettm $0x1  }
0x91: {  	s18 =	sld [smem:$0x3FFB];
	_ =	sdelay $0x3  }
0x92: {  	_ =	strace s18  }
0x93: {  	s3 =	sld [smem:$0x3FFC];
	_ =	sdelay $0x3  }
0x94: {  	_ =	strace s3  }
0x95: {  	s3 =	sld [smem:$0x3FFD];
	_ =	sdelay $0x3  }
0x96: {  	_ =	strace s3  }
0x97: {  	_ =	strace $0x8FFFFFFF  }
0x98: {  	s19 =	sld [smem:$0x3FDB];
	_ =	sdelay $0x1  }
0x99: {  	s4 =	simm.s32 $_scs_section_size  }
0x9a: {  	s5 =	simm.s32 $_size__tile_overlayer_lowered;
	s6 =	simm.s32 $_tile_overlayer_lowered  }
0x9b: {  	s22 =	simm.s32 $0x1BFF;
	s21 =	sshll.u32 s6, $0x1;
	s3 =	sadd.s32 s4, s19  }
0x9c: {  	s7 =	simm.s32 $0x0;
	s20 =	sshll.u32 s5, $0x1;
	s5 =	sadd.s32 s21, s3  }
0x9d: {  	[timem:s7], [sflag:s22] =	dma.local [hbm:s5], s20  }
0x9e: {  	_ =	swait.ge [sflag:s22], s20  }
0x9f: {  	s4 =	ssub.s32 $0x0, s20;
	[sflag:s22] =	ssyncset.done $0x0  }
0xa0: {  	[sflag:s22] =	ssyncadd.s32 s4;
	_ =	sdelay $0x1  }
0xa1: {  	s23 =	simm.s32 $0x1B8B  }
0xa2: {  	_ =	swait.ge [sflag:s23], $0x1  }
0xa3: {  	[sflag:s23] =	ssyncset.done $0x0  }
0xa4: {  	s25 =	simm.s32 $0x1B8E;
	s24 =	sld [smem:$0x3FFE];
	[sflag:s23] =	ssyncadd.s32 $0xFFFFFFFF  }
0xa5: {  	s26 =	simm.s32 $execute0_lowered;
	[smem:$0x3FD2] =	sst s25  }
0xa6: {  	s5 =	sshll.u32 s26, $0x1;
	_ =	strace $0x80000046;
	[dreg:$0x1] =	wrdreg $0xFFFFFFFF  }
0xa7: {  	s28 =	simm.s32 $_size_execute0_lowered;
	s3 =	sadd.s32 s3, s5;
	[dreg:$0x0] =	wrdreg $0x0  }
0xa8: {  	s5 =	sshll.u32 s28, $0x1;
	[dreg:$0x2] =	wrdreg s3  }
0xa9: {  	[dreg:$0x3] =	wrdreg s5  }
0xaa: {  	[dreg:$0x4] =	wrdreg $0xC0  }
0xab: {  	_ =	task [dreg:s7], $0x5FFFF  }
0xac: {  	[dreg:$0x1] =	wrdreg $0xFFFFFFFF  }
0xad: {  	[dreg:$0x0] =	wrdreg $0x60  }
0xae: {  	[dreg:$0x2] =	wrdreg s24  }
0xaf: {  	[dreg:$0x3] =	wrdreg s2  }
0xb0: {  	[dreg:$0x4] =	wrdreg $0x9  }
0xb1: {  	_ =	task.clear_ibuf [dreg:s7], $0x5FFFF;
	_ =	strace $0x90000046  }
0xb2: {  	s29 =	simm.s32 $0x9;
	_ =	strace $0x80000048  }
0xb3: {  	_ =	swait.ge [sflag:s29], $0x1  }
0xb4: {  	[sflag:s29] =	ssyncadd.s32 $0xFFFFFFFF  }
0xb5: {  	_ =	strace $0x90000048  }
0xb6: {  	_ =	sfence  }
0xb7: {  	s30 =	sld [smem:$0x0];
	_ =	sdelay $0x2  }
0xb8: {  	s31 =	sshll.u32 s1, $0xD;
	s1 =	sshrl.u32 s1, $0x2  }
0xb9: {  	s3 =	sand.u32 $0x4000, s31;
	s1 =	sadd.s32 s1, s30  }
0xba: {  	s0 =	sor.u32 s3, s0;
	s1 =	sshll.u32 s1, $0x11  }
0xbb: {  	s0 =	sor.u32 s1, s0  }
0xbc: {  	s0 =	sadd.s32 $0x8F2B, s0  }
0xbd: {  	[sflag:s0] =	ssyncadd.remote.s32 $0x1  }
0xbe: {  	_ =	sfence.sel $0xFFFF  }
0xbf: {  	[dreg:$0x0] =	wrdreg $0xFFFFFFFF;
	(pc) =	sbr.abs _section_cstart, $3  }
0xc0: {  	[dreg:$0x1] =	wrdreg $0xFFFFFFFF  }
0xc1: {  	_ =	task.clear_ibuf [dreg:s7], $0x2FFFF;
	_ =	strace $0x9FFFFFFF  }
0xc2: {  	(tm) =	ssettm $0x7FFFFFFF  }
0xc3: {  	_ =	shalt  }
tec
execute0_lowered:
.L_overlay_start_1:
0x0: {  	(tag) =	ssettag $0x1  }
0x1: {  	s5 =	rddreg [dreg:$0x0];
	s0 =	srdreg.scid  }
0x2: {  	s14 =	rddreg [dreg:$0x1];
	s15 =	sand.u32 $0x1, s0  }
0x3: {  	s1 =	stileid.u32;
	s2 =	simm.s32 $0x0;
	s3 =	sshll.u32 s15, $0x6  }
0x4: {  	s0 =	rddreg [dreg:$0x2];
	s4 =	sshll.u32 s1, $0x7;
	s3 =	sadd.s32 s3, s5  }
0x5: {  	[smem:$0x7FF] =	sst s2;
	s3 =	sadd.s32 s4, s3  }
0x6: {  	_ =	strace $0x80000047;
	s4 =	sadd.s32 $0x800, s3;
	s3 =	simm.s32 $0x2  }
0x7: {  	[tilespmem:s2], [sflag:$0x2] =	stream.linear.gather [hbm4b:s4+s2], $0x200, $0x38;
	[tilespmem:$0x10200] =	vst v63  }
0x8: {  	_ =	swait.ge [sflag:s3], $0x200  }
0x9: {  	s6 =	simm.s32 $0x80;
	s7 =	simm.s32 $0x200;
	[sflag:s3] =	ssyncset.done $0x0  }
0xa: {  	s8 =	simm.s32 $0x1;
	s5 =	sadd.s32 $0x1000, s5;
	[sflag:s3] =	ssyncadd.s32 $0xFFFFFE00  }
0xb: {  	[tilespmem:s7], [sflag:$0x1] =	stream.indirect.gather [hbm4b:s5+s6], $0x80, s2, s6, $0xb8;
	[tilespmem:$0x10200] =	vst v63  }
0xc: {  	_ =	swait.ge [sflag:s8], $0x4000  }
0xd: {  	[sflag:s8] =	ssyncset.done $0x0  }
0xe: {  	s9 =	simm.s32 $0x4200;
	[sflag:s8] =	ssyncadd.s32 $0xFFFFC000  }
0xf: {  	[tilespmem:s9], [sflag:$0x1] =	stream.indirect.gather [hbm4b:s5+s6], $0x80, s6, s6, $0xb8;
	[tilespmem:$0x10200] =	vst v63  }
0x10: {  	_ =	swait.ge [sflag:s8], $0x4000  }
0x11: {  	s10 =	simm.s32 $0x100;
	[sflag:s8] =	ssyncset.done $0x0  }
0x12: {  	s11 =	simm.s32 $0x8200;
	s16 =	ssub.s32 $0x2, s15;
	[sflag:s8] =	ssyncadd.s32 $0xFFFFC000  }
0x13: {  	[tilespmem:s11], [sflag:$0x1] =	stream.indirect.gather [hbm4b:s5+s6], $0x80, s10, s6, $0xb8;
	[tilespmem:$0x10200] =	vst v63  }
0x14: {  	s12 =	simm.s32 $0x180;
	s17 =	sshrl.u32 s16, $0x1;
	_ =	swait.ge [sflag:s8], $0x4000  }
0x15: {  	s13 =	simm.s32 $0xC200;
	s16 =	ssub.s32 s16, s17;
	[sflag:s8] =	ssyncset.done $0x0  }
0x16: {  	s30 =	sshll.u32 s1, $0xE;
	s31 =	smax.u32 s16, $0x1;
	[sflag:s8] =	ssyncadd.s32 $0xFFFFC000  }
0x17: {  	[tilespmem:s13], [sflag:$0x1] =	stream.indirect.gather [hbm4b:s5+s6], $0x80, s12, s6, $0xb8;
	[tilespmem:$0x10200] =	vst v63  }
0x18: {  	s15 =	sshll.u32 s15, $0xD;
	p0 =	sne.s32 s31, $0x1;
	_ =	swait.ge [sflag:s8], $0x4000  }
.Ltmp0:
0x19: {  	s14 =	sadd.s32 s14, s15;
	[sflag:s8] =	ssyncset.done $0x0;
	(pc) =	sbr.rel @!p0 .LBB2_2-.Ltmp0, $4  }
0x1a: {  	s14 =	sadd.s32 s30, s14;
	[sflag:s8] =	ssyncadd.s32 $0xFFFFC000  }
0x1b: {  	[hbm4b:s14+s2] =	stream.linear.scatter [tilespmem:s7], [sflag:$0x2], $0x10000, $0x38;
	[tilespmem:$0x10200] =	vst v63  }
0x1c: {  	_ =	swait.ge [sflag:s3], $0x10000  }
0x1d: {  	s15 =	sadd.s32 $0xFFFFFFFF, s31;
	[sflag:s3] =	ssyncset.done $0x0  }
.LBB2_1:
0x1e: {  	p0 =	sne.s32 s15, $0x1;
	s15 =	sadd.s32 $0xFFFFFFFF, s15;
	[sflag:s3] =	ssyncadd.s32 $0xFFFF0000  }
0x1f: {  	[tilespmem:s2], [sflag:$0x2] =	stream.linear.gather [hbm4b:s4+s2], $0x200, $0x38;
	[tilespmem:$0x10200] =	vst v63  }
0x20: {  	_ =	swait.ge [sflag:s3], $0x200  }
0x21: {  	[sflag:s3] =	ssyncset.done $0x0  }
0x22: {  	[sflag:s3] =	ssyncadd.s32 $0xFFFFFE00  }
0x23: {  	[tilespmem:s7], [sflag:$0x1] =	stream.indirect.gather [hbm4b:s5+s6], $0x80, s2, s6, $0xb8;
	[tilespmem:$0x10200] =	vst v63  }
0x24: {  	_ =	swait.ge [sflag:s8], $0x4000  }
0x25: {  	[sflag:s8] =	ssyncset.done $0x0  }
0x26: {  	[sflag:s8] =	ssyncadd.s32 $0xFFFFC000  }
0x27: {  	[tilespmem:s9], [sflag:$0x1] =	stream.indirect.gather [hbm4b:s5+s6], $0x80, s6, s6, $0xb8;
	[tilespmem:$0x10200] =	vst v63  }
0x28: {  	_ =	swait.ge [sflag:s8], $0x4000  }
0x29: {  	[sflag:s8] =	ssyncset.done $0x0  }
0x2a: {  	[sflag:s8] =	ssyncadd.s32 $0xFFFFC000  }
0x2b: {  	[tilespmem:s11], [sflag:$0x1] =	stream.indirect.gather [hbm4b:s5+s6], $0x80, s10, s6, $0xb8;
	[tilespmem:$0x10200] =	vst v63  }
0x2c: {  	_ =	swait.ge [sflag:s8], $0x4000  }
0x2d: {  	[sflag:s8] =	ssyncset.done $0x0  }
0x2e: {  	[sflag:s8] =	ssyncadd.s32 $0xFFFFC000  }
0x2f: {  	[tilespmem:s13], [sflag:$0x1] =	stream.indirect.gather [hbm4b:s5+s6], $0x80, s12, s6, $0xb8;
	[tilespmem:$0x10200] =	vst v63  }
0x30: {  	_ =	swait.ge [sflag:s8], $0x4000  }
.Ltmp1:
0x31: {  	[sflag:s8] =	ssyncset.done $0x0;
	(pc) =	sbr.rel @p0 .LBB2_1-.Ltmp1, $4  }
0x32: {  	[sflag:s8] =	ssyncadd.s32 $0xFFFFC000  }
0x33: {  	[hbm4b:s14+s2] =	stream.linear.scatter [tilespmem:s7], [sflag:$0x2], $0x10000, $0x38;
	[tilespmem:$0x10200] =	vst v63  }
0x34: {  	_ =	swait.ge [sflag:s3], $0x10000  }
0x35: {  	[sflag:s3] =	ssyncset.done $0x0  }
.LBB2_2:
0x36: {  	[sflag:s3] =	ssyncadd.s32 $0xFFFF0000  }
0x37: {  	_ =	sfence.sel $0x180000  }
0x38: {  	[bflag:$0x0] =	sbarrier.arrive $0xFFFF  }
0x39: {  	p0 =	sne.s32 s1, $0x0;
	_ =	strace $0x90000047  }
0x3a: {  	s0 =	sadd.s32 @!p0 $0x100000, s0;
	[bflag:$0x2] =	sbarrier.arrive $0xFFFF  }
0x3b: {  	[sflag:s0] =	ssyncadd.tile.s32 @!p0 $0x1;
	_ =	shalt  }
.Lfunc_end2:
_tile_overlayer_lowered:
.L_overlay_start_2:
0x3c: {  	(tag) =	ssettag $0x2  }
0x3d: {  	s0 =	rddreg [dreg:$0x0];
	s2 =	stileid.u32  }
0x3e: {  	s1 =	rddreg [dreg:$0x1];
	p0 =	sne.s32 s2, $0x0  }
0x3f: {  	s3 =	rddreg [dreg:$0x2];
	[bflag:$0x3] =	sbarrier.arrive $0xFFFF;
	s2 =	simm.s32 @!p0 $0x1C02  }
0x40: {  	[timem:s3], [sflag:s2] =	dma.local @!p0 [hbm:s0], s1  }
0x41: {  	s0 =	simm.s32 @!p0 $0x2  }
0x42: {  	_ =	swait.ge @!p0 [sflag:s0], s1  }
0x43: {  	s1 =	ssub.s32 @!p0 $0x0, s1;
	[sflag:s0] =	ssyncset.done @!p0 $0x0  }
0x44: {  	[sflag:s0] =	ssyncadd.s32 @!p0 s1  }
0x45: {  	[bflag:$0x3] =	sbarrier.arrive $0xFFFF  }
0x46: {  	_ =	shalt  }

</sc_bundles>
